<compile_context>
chip_gen: v7x
topology: tpu7x:2x2x1
jax: 0.10.2.dev20260603
libtpu: 0.0.44.dev20260713+nightly
codegen_flags: <defaults>
</compile_context>

<pallas_src>
import functools

import jax
import jax.numpy as jnp
from jax import lax
from jax.experimental import pallas as pl
from jax.experimental.pallas import tpu as pltpu
from jax.experimental.pallas import tpu_sc as plsc

N_NODES = 100000
DIM = 128
N_EDGES = 500000
R = 2.0
T = 1.0
EPS = 1e-7

NC, NS, L = 2, 16, 16
BC = 128
FA = 200
FB = 48
TOT_CHUNKS = NS * (FA + FB)
P_PAD = BC * TOT_CHUNKS


def _sc_minkowski(h, idx0, idx1):
    mesh = plsc.VectorSubcoreMesh(core_axis_name="c", subcore_axis_name="s")

    @functools.partial(
        pl.kernel,
        out_type=jax.ShapeDtypeStruct((P_PAD,), jnp.float32),
        mesh=mesh,
        compiler_params=pltpu.CompilerParams(needs_layout_passes=False),
        scratch_types=[
            pltpu.VMEM((BC,), jnp.int32),
            pltpu.VMEM((BC,), jnp.int32),
            pltpu.VMEM((BC, DIM), jnp.float32),
            pltpu.VMEM((BC, DIM), jnp.float32),
            pltpu.VMEM((BC,), jnp.float32),
            pltpu.SemaphoreType.DMA,
            pltpu.SemaphoreType.DMA,
        ],
    )
    def k(h_hbm, i0_hbm, i1_hbm, out_hbm, i0_v, i1_v, ra_v, rb_v, out_v,
          sem_a, sem_b):
        c = lax.axis_index("c")
        s = lax.axis_index("s")
        lane = lax.iota(jnp.int32, L)
        w0 = jnp.where(lane == 0, -1.0, 1.0).astype(jnp.float32)

        def chunk_body(kk, base):
            off = base + kk * BC
            pltpu.sync_copy(i0_hbm.at[pl.ds(off, BC)], i0_v)
            pltpu.sync_copy(i1_hbm.at[pl.ds(off, BC)], i1_v)
            ca = pltpu.async_copy(h_hbm.at[i0_v], ra_v, sem_a)
            cb = pltpu.async_copy(h_hbm.at[i1_v], rb_v, sem_b)
            ca.wait()
            cb.wait()

            def group(g, _):
                def pair_body(j, res):
                    i = g * L + j
                    p = [ra_v[i, pl.ds(cc * L, L)] * rb_v[i, pl.ds(cc * L, L)]
                         for cc in range(DIM // L)]
                    p[0] = p[0] * w0
                    ss = ((p[0] + p[1]) + (p[2] + p[3])) \
                        + ((p[4] + p[5]) + (p[6] + p[7]))
                    return jnp.where(lane == j, jnp.sum(ss), res)

                out_v[pl.ds(g * L, L)] = lax.fori_loop(
                    0, L, pair_body, jnp.zeros((L,), jnp.float32))
                return 0

            lax.fori_loop(0, BC // L, group, 0)
            pltpu.sync_copy(out_v, out_hbm.at[pl.ds(off, BC)])
            return base

        @pl.when(c == 0)
        def _():
            lax.fori_loop(0, FA, chunk_body, s * FA * BC)

        @pl.when(c == 1)
        def _():
            lax.fori_loop(0, FB, chunk_body, (NS * FA + s * FB) * BC)

    return k(h, idx0, idx1)


def _decode_body(p_ref, o_ref):
    prod = p_ref[...]
    theta = jnp.maximum(-prod, 1.0 + EPS)
    dist = jnp.log(theta + jnp.sqrt(theta - 1.0) * jnp.sqrt(theta + 1.0))
    sqdist = jnp.minimum(dist * dist, 50.0)
    o_ref[...] = 1.0 / (jnp.exp((sqdist - R) / T) + 1.0)


def _tc_decode(prod):
    rows = P_PAD // DIM
    return pl.pallas_call(
        _decode_body,
        out_shape=jax.ShapeDtypeStruct((rows, DIM), jnp.float32),
    )(prod.reshape(rows, DIM)).reshape(-1)


def kernel(h, idx):
    pad = P_PAD - N_EDGES
    idx0 = jnp.concatenate([idx[:, 0], jnp.zeros((pad,), jnp.int32)])
    idx1 = jnp.concatenate([idx[:, 1], jnp.zeros((pad,), jnp.int32)])
    prod = _sc_minkowski(h, idx0, idx1)
    return _tc_decode(prod)[:N_EDGES]

# --- scband reference (transcript-rebuilt; emitter-appended) ---
"""Pipeline reference for scband-lpmodel-36721970381526 (READ-ONLY COPY).

The authoritative reference and input builder live on the scoring server;
editing this copy changes nothing except your own understanding.
"""

import jax, jax.numpy as jnp
import numpy as np

N_NODES = 100000
DIM = 128
N_EDGES = 500000
R = 2.0
T = 1.0
C = 1.0
EPS = 1e-7


def setup_inputs(seed: int = 0) -> dict:
    key = jax.random.key(seed)
    k1, k2 = jax.random.split(key)
    h = jax.random.normal(k1, (N_NODES, DIM), dtype=jnp.float32)
    idx = jax.random.randint(k2, (N_EDGES, 2), 0, N_NODES, dtype=jnp.int32)
    return {"h": h, "idx": idx}


def reference(h, idx):
    # LPModel.decode: gather endpoint embeddings (embedding lookup)
    emb_in = jnp.take(h, idx[:, 0], axis=0)
    emb_out = jnp.take(h, idx[:, 1], axis=0)
    # LorentzManifold.sqdist with curvature c=1: Minkowski inner product
    prod = jnp.sum(emb_in * emb_out, axis=-1) - 2.0 * emb_in[:, 0] * emb_out[:, 0]
    K = 1.0 / C
    theta = jnp.clip(-prod / K, 1.0 + EPS, None)
    sqdist = jnp.clip(K * jnp.arccosh(theta) ** 2, None, 50.0)
    # FermiDiracDecoder: probs = 1 / (exp((d - r)/t) + 1)
    probs = 1.0 / (jnp.exp((sqdist - R) / T) + 1.0)
    return probs

if __name__ == "__main__":
    import jax
    _d = setup_inputs()
    print(jax.jit(kernel)(*tuple(_d.values())))

</pallas_src>

<mosaic_0001>
#map = affine_map<(d0, d1) -> (0, 0)>
#map1 = affine_map<(d0, d1) -> (0)>
module attributes {stable_mosaic.version = 14 : i64} {
  func.func @k(%arg0: i32, %arg1: i32, %arg2: memref<100000x128xf32, #tpu.memory_space<hbm>>, %arg3: memref<507904xi32, #tpu.memory_space<hbm>>, %arg4: memref<507904xi32, #tpu.memory_space<hbm>>, %arg5: memref<507904xf32, #tpu.memory_space<hbm>>, %arg6: memref<128xi32, #tpu.memory_space<vmem>>, %arg7: memref<128xi32, #tpu.memory_space<vmem>>, %arg8: memref<128x128xf32, #tpu.memory_space<vmem>>, %arg9: memref<128x128xf32, #tpu.memory_space<vmem>>, %arg10: memref<128xf32, #tpu.memory_space<vmem>>, %arg11: memref<!tpu.dma_semaphore, #tpu.memory_space<semaphore_mem>>, %arg12: memref<!tpu.dma_semaphore, #tpu.memory_space<semaphore_mem>>) attributes {dimension_semantics = [#tpu.dimension_semantics<core_parallel>, #tpu.dimension_semantics<subcore_parallel>], iteration_bounds = array<i64: 2, 16>, scalar_prefetch = 0 : i64, scratch_operands = 7 : i64, tpu.core_type = #tpu.core_type<sc_vector_subcore>, window_params = [{transform_indices = #map}, {transform_indices = #map1}, {transform_indices = #map1}, {transform_indices = #map1}]} {
    %iota3A = tpu.iota {dimensions = array<i32: 0>} : vector<16xi32>
    %eq3A = arith.constant 0 : i32
    %eq3A_0 = vector.broadcast %eq3A : i32 to vector<16xi32>
    %eq3A_1 = arith.cmpi eq, %iota3A, %eq3A_0 : vector<16xi32>
    %jit3A = arith.constant -1.000000e+00 : f32
    %jit3A_2 = arith.constant 1.000000e+00 : f32
    %broadcast_in_dim3A = vector.broadcast %jit3A : f32 to vector<16xf32>
    %broadcast_in_dim3A_3 = vector.broadcast %jit3A_2 : f32 to vector<16xf32>
    %select_n3A = arith.select %eq3A_1, %broadcast_in_dim3A, %broadcast_in_dim3A_3 : vector<16xi1>, vector<16xf32>
    %eq3A_4 = arith.constant 0 : i32
    %eq3A_5 = arith.cmpi eq, %arg0, %eq3A_4 : i32
    %convert_element_type3A = arith.extui %eq3A_5 : i1 to i32
    %cond3A = arith.constant 0 : i32
    %cond3A_6 = arith.cmpi ne, %convert_element_type3A, %cond3A : i32
    scf.if %cond3A_6 {
      %mul3A = arith.constant 200 : i32
      %mul3A_12 = arith.muli %arg1, %mul3A : i32
      %mul3A_13 = arith.constant 128 : i32
      %mul3A_14 = arith.muli %mul3A_12, %mul3A_13 : i32
      %scan3A = arith.constant 0 : i32
      %scan3A_15 = arith.constant 200 : i32
      %scan3A_16 = arith.addi %scan3A, %scan3A_15 : i32
      %scan3A_17 = arith.constant 1 : i32
      scf.for %scan3A_19 = %scan3A to %scan3A_16 step %scan3A_17  : i32 {
        %mul3A_20 = arith.constant 128 : i32
        %mul3A_21 = arith.muli %scan3A_19, %mul3A_20 : i32
        %add3A = arith.addi %mul3A_14, %mul3A_21 : i32
        "tpu.region"() ({
          %run_scoped3A = tpu.sem_alloc : memref<!tpu.dma_semaphore, #tpu.memory_space<semaphore_mem>>
          %dma_start3A_39 = tpu.memref_slice %arg3[%add3A] : memref<507904xi32, #tpu.memory_space<hbm>> -> memref<128xi32, #tpu.memory_space<hbm>>
          %dma_start3A_40 = tpu.memref_slice %arg3[%add3A] : memref<507904xi32, #tpu.memory_space<hbm>> -> memref<128xi32, #tpu.memory_space<hbm>>
          tpu.enqueue_dma source(%dma_start3A_40 : memref<128xi32, #tpu.memory_space<hbm>>) target(%arg6 : memref<128xi32, #tpu.memory_space<vmem>>) target_semaphore(%run_scoped3A : memref<!tpu.dma_semaphore, #tpu.memory_space<semaphore_mem>>)
          %dma_wait3A_41 = tpu.memref_slice %arg3[%add3A] : memref<507904xi32, #tpu.memory_space<hbm>> -> memref<128xi32, #tpu.memory_space<hbm>>
          %dma_wait3A_42 = tpu.memref_slice %arg3[%add3A] : memref<507904xi32, #tpu.memory_space<hbm>> -> memref<128xi32, #tpu.memory_space<hbm>>
          tpu.wait_dma2 semaphore(%run_scoped3A : memref<!tpu.dma_semaphore, #tpu.memory_space<semaphore_mem>>) src(%dma_wait3A_42 : memref<128xi32, #tpu.memory_space<hbm>>) dst(%arg6 : memref<128xi32, #tpu.memory_space<vmem>>)
          tpu.yield
        }) : () -> ()
        "tpu.region"() ({
          %run_scoped3A = tpu.sem_alloc : memref<!tpu.dma_semaphore, #tpu.memory_space<semaphore_mem>>
          %dma_start3A_39 = tpu.memref_slice %arg4[%add3A] : memref<507904xi32, #tpu.memory_space<hbm>> -> memref<128xi32, #tpu.memory_space<hbm>>
          %dma_start3A_40 = tpu.memref_slice %arg4[%add3A] : memref<507904xi32, #tpu.memory_space<hbm>> -> memref<128xi32, #tpu.memory_space<hbm>>
          tpu.enqueue_dma source(%dma_start3A_40 : memref<128xi32, #tpu.memory_space<hbm>>) target(%arg7 : memref<128xi32, #tpu.memory_space<vmem>>) target_semaphore(%run_scoped3A : memref<!tpu.dma_semaphore, #tpu.memory_space<semaphore_mem>>)
          %dma_wait3A_41 = tpu.memref_slice %arg4[%add3A] : memref<507904xi32, #tpu.memory_space<hbm>> -> memref<128xi32, #tpu.memory_space<hbm>>
          %dma_wait3A_42 = tpu.memref_slice %arg4[%add3A] : memref<507904xi32, #tpu.memory_space<hbm>> -> memref<128xi32, #tpu.memory_space<hbm>>
          tpu.wait_dma2 semaphore(%run_scoped3A : memref<!tpu.dma_semaphore, #tpu.memory_space<semaphore_mem>>) src(%dma_wait3A_42 : memref<128xi32, #tpu.memory_space<hbm>>) dst(%arg7 : memref<128xi32, #tpu.memory_space<vmem>>)
          tpu.yield
        }) : () -> ()
        %dma_start3A = arith.constant 0 : i32
        %dma_start3A_22 = arith.constant 0 : i32
        %dma_start3A_23 = tpu.memref_slice %arg2[%dma_start3A, %dma_start3A_22] : memref<100000x128xf32, #tpu.memory_space<hbm>> -> memref<100000x128xf32, #tpu.memory_space<hbm>>
        tpu.enqueue_indirect_dma source(%dma_start3A_23 : memref<100000x128xf32, #tpu.memory_space<hbm>>) target(%arg8 : memref<128x128xf32, #tpu.memory_space<vmem>>) offsets(%arg6 : memref<128xi32, #tpu.memory_space<vmem>>) semaphore(%arg11 : memref<!tpu.dma_semaphore, #tpu.memory_space<semaphore_mem>>)
        %dma_start3A_24 = arith.constant 0 : i32
        %dma_start3A_25 = arith.constant 0 : i32
        %dma_start3A_26 = tpu.memref_slice %arg2[%dma_start3A_24, %dma_start3A_25] : memref<100000x128xf32, #tpu.memory_space<hbm>> -> memref<100000x128xf32, #tpu.memory_space<hbm>>
        tpu.enqueue_indirect_dma source(%dma_start3A_26 : memref<100000x128xf32, #tpu.memory_space<hbm>>) target(%arg9 : memref<128x128xf32, #tpu.memory_space<vmem>>) offsets(%arg7 : memref<128xi32, #tpu.memory_space<vmem>>) semaphore(%arg12 : memref<!tpu.dma_semaphore, #tpu.memory_space<semaphore_mem>>)
        %dma_wait3A = arith.constant 0 : i32
        %dma_wait3A_27 = arith.constant 0 : i32
        %dma_wait3A_28 = tpu.memref_slice %arg2[%dma_wait3A, %dma_wait3A_27] : memref<100000x128xf32, #tpu.memory_space<hbm>> -> memref<100000x128xf32, #tpu.memory_space<hbm>>
        tpu.wait_indirect_dma semaphore(%arg11 : memref<!tpu.dma_semaphore, #tpu.memory_space<semaphore_mem>>) src(%dma_wait3A_28 : memref<100000x128xf32, #tpu.memory_space<hbm>>) dst(%arg8 : memref<128x128xf32, #tpu.memory_space<vmem>>)
        %dma_wait3A_29 = arith.constant 0 : i32
        %dma_wait3A_30 = arith.constant 0 : i32
        %dma_wait3A_31 = tpu.memref_slice %arg2[%dma_wait3A_29, %dma_wait3A_30] : memref<100000x128xf32, #tpu.memory_space<hbm>> -> memref<100000x128xf32, #tpu.memory_space<hbm>>
        tpu.wait_indirect_dma semaphore(%arg12 : memref<!tpu.dma_semaphore, #tpu.memory_space<semaphore_mem>>) src(%dma_wait3A_31 : memref<100000x128xf32, #tpu.memory_space<hbm>>) dst(%arg9 : memref<128x128xf32, #tpu.memory_space<vmem>>)
        %scan3A_32 = arith.constant 0 : i32
        %scan3A_33 = arith.constant 0 : i32
        %scan3A_34 = arith.constant 8 : i32
        %scan3A_35 = arith.addi %scan3A_33, %scan3A_34 : i32
        %scan3A_36 = arith.constant 1 : i32
        %scan3A_37 = scf.for %scan3A_39 = %scan3A_33 to %scan3A_35 step %scan3A_36 iter_args(%scan3A_40 = %scan3A_32) -> (i32)  : i32 {
          %broadcast_in_dim3A_41 = arith.constant 0.000000e+00 : f32
          %broadcast_in_dim3A_42 = vector.broadcast %broadcast_in_dim3A_41 : f32 to vector<16xf32>
          %scan3A_43 = arith.constant 0 : i32
          %scan3A_44 = arith.constant 16 : i32
          %scan3A_45 = arith.addi %scan3A_43, %scan3A_44 : i32
          %scan3A_46 = arith.constant 1 : i32
          %scan3A_47 = scf.for %scan3A_53 = %scan3A_43 to %scan3A_45 step %scan3A_46 iter_args(%scan3A_54 = %broadcast_in_dim3A_42) -> (vector<16xf32>)  : i32 {
            %mul3A_55 = arith.constant 16 : i32
            %mul3A_56 = arith.muli %scan3A_39, %mul3A_55 : i32
            %add3A_57 = arith.addi %mul3A_56, %scan3A_53 : i32
            %get3A = arith.index_cast %add3A_57 : i32 to index
            %get3A_58 = arith.constant 0 : index
            %get3A_59 = tpu.vector_load %arg8[%get3A, %get3A_58] {strides = array<i32>} : memref<128x128xf32, #tpu.memory_space<vmem>>, vector<16xf32>,
            %get3A_60 = arith.index_cast %add3A_57 : i32 to index
            %get3A_61 = arith.constant 0 : index
            %get3A_62 = tpu.vector_load %arg9[%get3A_60, %get3A_61] {strides = array<i32>} : memref<128x128xf32, #tpu.memory_space<vmem>>, vector<16xf32>,
            %mul3A_63 = arith.mulf %get3A_59, %get3A_62 : vector<16xf32>
            %get3A_64 = arith.index_cast %add3A_57 : i32 to index
            %get3A_65 = arith.constant 16 : index
            %get3A_66 = tpu.vector_load %arg8[%get3A_64, %get3A_65] {strides = array<i32>} : memref<128x128xf32, #tpu.memory_space<vmem>>, vector<16xf32>,
            %get3A_67 = arith.index_cast %add3A_57 : i32 to index
            %get3A_68 = arith.constant 16 : index
            %get3A_69 = tpu.vector_load %arg9[%get3A_67, %get3A_68] {strides = array<i32>} : memref<128x128xf32, #tpu.memory_space<vmem>>, vector<16xf32>,
            %mul3A_70 = arith.mulf %get3A_66, %get3A_69 : vector<16xf32>
            %get3A_71 = arith.index_cast %add3A_57 : i32 to index
            %get3A_72 = arith.constant 32 : index
            %get3A_73 = tpu.vector_load %arg8[%get3A_71, %get3A_72] {strides = array<i32>} : memref<128x128xf32, #tpu.memory_space<vmem>>, vector<16xf32>,
            %get3A_74 = arith.index_cast %add3A_57 : i32 to index
            %get3A_75 = arith.constant 32 : index
            %get3A_76 = tpu.vector_load %arg9[%get3A_74, %get3A_75] {strides = array<i32>} : memref<128x128xf32, #tpu.memory_space<vmem>>, vector<16xf32>,
            %mul3A_77 = arith.mulf %get3A_73, %get3A_76 : vector<16xf32>
            %get3A_78 = arith.index_cast %add3A_57 : i32 to index
            %get3A_79 = arith.constant 48 : index
            %get3A_80 = tpu.vector_load %arg8[%get3A_78, %get3A_79] {strides = array<i32>} : memref<128x128xf32, #tpu.memory_space<vmem>>, vector<16xf32>,
            %get3A_81 = arith.index_cast %add3A_57 : i32 to index
            %get3A_82 = arith.constant 48 : index
            %get3A_83 = tpu.vector_load %arg9[%get3A_81, %get3A_82] {strides = array<i32>} : memref<128x128xf32, #tpu.memory_space<vmem>>, vector<16xf32>,
            %mul3A_84 = arith.mulf %get3A_80, %get3A_83 : vector<16xf32>
            %get3A_85 = arith.index_cast %add3A_57 : i32 to index
            %get3A_86 = arith.constant 64 : index
            %get3A_87 = tpu.vector_load %arg8[%get3A_85, %get3A_86] {strides = array<i32>} : memref<128x128xf32, #tpu.memory_space<vmem>>, vector<16xf32>,
            %get3A_88 = arith.index_cast %add3A_57 : i32 to index
            %get3A_89 = arith.constant 64 : index
            %get3A_90 = tpu.vector_load %arg9[%get3A_88, %get3A_89] {strides = array<i32>} : memref<128x128xf32, #tpu.memory_space<vmem>>, vector<16xf32>,
            %mul3A_91 = arith.mulf %get3A_87, %get3A_90 : vector<16xf32>
            %get3A_92 = arith.index_cast %add3A_57 : i32 to index
            %get3A_93 = arith.constant 80 : index
            %get3A_94 = tpu.vector_load %arg8[%get3A_92, %get3A_93] {strides = array<i32>} : memref<128x128xf32, #tpu.memory_space<vmem>>, vector<16xf32>,
            %get3A_95 = arith.index_cast %add3A_57 : i32 to index
            %get3A_96 = arith.constant 80 : index
            %get3A_97 = tpu.vector_load %arg9[%get3A_95, %get3A_96] {strides = array<i32>} : memref<128x128xf32, #tpu.memory_space<vmem>>, vector<16xf32>,
            %mul3A_98 = arith.mulf %get3A_94, %get3A_97 : vector<16xf32>
            %get3A_99 = arith.index_cast %add3A_57 : i32 to index
            %get3A_100 = arith.constant 96 : index
            %get3A_101 = tpu.vector_load %arg8[%get3A_99, %get3A_100] {strides = array<i32>} : memref<128x128xf32, #tpu.memory_space<vmem>>, vector<16xf32>,
            %get3A_102 = arith.index_cast %add3A_57 : i32 to index
            %get3A_103 = arith.constant 96 : index
            %get3A_104 = tpu.vector_load %arg9[%get3A_102, %get3A_103] {strides = array<i32>} : memref<128x128xf32, #tpu.memory_space<vmem>>, vector<16xf32>,
            %mul3A_105 = arith.mulf %get3A_101, %get3A_104 : vector<16xf32>
            %get3A_106 = arith.index_cast %add3A_57 : i32 to index
            %get3A_107 = arith.constant 112 : index
            %get3A_108 = tpu.vector_load %arg8[%get3A_106, %get3A_107] {strides = array<i32>} : memref<128x128xf32, #tpu.memory_space<vmem>>, vector<16xf32>,
            %get3A_109 = arith.index_cast %add3A_57 : i32 to index
            %get3A_110 = arith.constant 112 : index
            %get3A_111 = tpu.vector_load %arg9[%get3A_109, %get3A_110] {strides = array<i32>} : memref<128x128xf32, #tpu.memory_space<vmem>>, vector<16xf32>,
            %mul3A_112 = arith.mulf %get3A_108, %get3A_111 : vector<16xf32>
            %mul3A_113 = arith.mulf %mul3A_63, %select_n3A : vector<16xf32>
            %add3A_114 = arith.addf %mul3A_113, %mul3A_70 : vector<16xf32>
            %add3A_115 = arith.addf %mul3A_77, %mul3A_84 : vector<16xf32>
            %add3A_116 = arith.addf %add3A_114, %add3A_115 : vector<16xf32>
            %add3A_117 = arith.addf %mul3A_91, %mul3A_98 : vector<16xf32>
            %add3A_118 = arith.addf %mul3A_105, %mul3A_112 : vector<16xf32>
            %add3A_119 = arith.addf %add3A_117, %add3A_118 : vector<16xf32>
            %add3A_120 = arith.addf %add3A_116, %add3A_119 : vector<16xf32>
            %eq3A_121 = vector.broadcast %scan3A_53 : i32 to vector<16xi32>
            %eq3A_122 = arith.cmpi eq, %iota3A, %eq3A_121 : vector<16xi32>
            %reduce_sum3A = arith.constant true
            %reduce_sum3A_123 = vector.broadcast %reduce_sum3A : i1 to vector<16xi1>
            %reduce_sum3A_124 = tpu.scan <sum>, %add3A_120 masked %reduce_sum3A_123 : vector<16xf32>, vector<16xi1> -> vector<16xf32>
            %reduce_sum3A_125 = vector.extract %reduce_sum3A_124[15] : f32 from vector<16xf32>
            %broadcast_in_dim3A_126 = vector.broadcast %reduce_sum3A_125 : f32 to vector<16xf32>
            %select_n3A_127 = arith.select %eq3A_122, %broadcast_in_dim3A_126, %scan3A_54 : vector<16xi1>, vector<16xf32>
            scf.yield %select_n3A_127 : vector<16xf32>
          }
          %scan3A_48 = arith.constant 16 : i32
          %mul3A_49 = arith.constant 16 : i32
          %mul3A_50 = arith.muli %scan3A_39, %mul3A_49 : i32
          %swap3A = arith.index_cast %mul3A_50 : i32 to index
          %swap3A_51 = tpu.vector_load %arg10[%swap3A] {strides = array<i32>} : memref<128xf32, #tpu.memory_space<vmem>>, vector<16xf32>,
          tpu.vector_store %arg10[%swap3A], %scan3A_47 {strides = array<i32>} : memref<128xf32, #tpu.memory_space<vmem>>, vector<16xf32>,
          %scan3A_52 = arith.constant 0 : i32
          scf.yield %scan3A_52 : i32
        }
        %scan3A_38 = arith.constant 8 : i32
        "tpu.region"() ({
          %run_scoped3A = tpu.sem_alloc : memref<!tpu.dma_semaphore, #tpu.memory_space<semaphore_mem>>
          %dma_start3A_39 = tpu.memref_slice %arg5[%add3A] : memref<507904xf32, #tpu.memory_space<hbm>> -> memref<128xf32, #tpu.memory_space<hbm>>
          %dma_start3A_40 = tpu.memref_slice %arg5[%add3A] : memref<507904xf32, #tpu.memory_space<hbm>> -> memref<128xf32, #tpu.memory_space<hbm>>
          tpu.enqueue_dma source(%arg10 : memref<128xf32, #tpu.memory_space<vmem>>) target(%dma_start3A_40 : memref<128xf32, #tpu.memory_space<hbm>>) target_semaphore(%run_scoped3A : memref<!tpu.dma_semaphore, #tpu.memory_space<semaphore_mem>>)
          %dma_wait3A_41 = tpu.memref_slice %arg5[%add3A] : memref<507904xf32, #tpu.memory_space<hbm>> -> memref<128xf32, #tpu.memory_space<hbm>>
          %dma_wait3A_42 = tpu.memref_slice %arg5[%add3A] : memref<507904xf32, #tpu.memory_space<hbm>> -> memref<128xf32, #tpu.memory_space<hbm>>
          tpu.wait_dma2 semaphore(%run_scoped3A : memref<!tpu.dma_semaphore, #tpu.memory_space<semaphore_mem>>) src(%arg10 : memref<128xf32, #tpu.memory_space<vmem>>) dst(%dma_wait3A_42 : memref<128xf32, #tpu.memory_space<hbm>>)
          tpu.yield
        }) : () -> ()
      }
      %scan3A_18 = arith.constant 200 : i32
    } else {
    }
    %eq3A_7 = arith.constant 1 : i32
    %eq3A_8 = arith.cmpi eq, %arg0, %eq3A_7 : i32
    %convert_element_type3A_9 = arith.extui %eq3A_8 : i1 to i32
    %cond3A_10 = arith.constant 0 : i32
    %cond3A_11 = arith.cmpi ne, %convert_element_type3A_9, %cond3A_10 : i32
    scf.if %cond3A_11 {
      %mul3A = arith.constant 48 : i32
      %mul3A_12 = arith.muli %arg1, %mul3A : i32
      %add3A = arith.constant 3200 : i32
      %add3A_13 = arith.addi %add3A, %mul3A_12 : i32
      %mul3A_14 = arith.constant 128 : i32
      %mul3A_15 = arith.muli %add3A_13, %mul3A_14 : i32
      %scan3A = arith.constant 0 : i32
      %scan3A_16 = arith.constant 48 : i32
      %scan3A_17 = arith.addi %scan3A, %scan3A_16 : i32
      %scan3A_18 = arith.constant 1 : i32
      scf.for %scan3A_20 = %scan3A to %scan3A_17 step %scan3A_18  : i32 {
        %mul3A_21 = arith.constant 128 : i32
        %mul3A_22 = arith.muli %scan3A_20, %mul3A_21 : i32
        %add3A_23 = arith.addi %mul3A_15, %mul3A_22 : i32
        "tpu.region"() ({
          %run_scoped3A = tpu.sem_alloc : memref<!tpu.dma_semaphore, #tpu.memory_space<semaphore_mem>>
          %dma_start3A_41 = tpu.memref_slice %arg3[%add3A_23] : memref<507904xi32, #tpu.memory_space<hbm>> -> memref<128xi32, #tpu.memory_space<hbm>>
          %dma_start3A_42 = tpu.memref_slice %arg3[%add3A_23] : memref<507904xi32, #tpu.memory_space<hbm>> -> memref<128xi32, #tpu.memory_space<hbm>>
          tpu.enqueue_dma source(%dma_start3A_42 : memref<128xi32, #tpu.memory_space<hbm>>) target(%arg6 : memref<128xi32, #tpu.memory_space<vmem>>) target_semaphore(%run_scoped3A : memref<!tpu.dma_semaphore, #tpu.memory_space<semaphore_mem>>)
          %dma_wait3A_43 = tpu.memref_slice %arg3[%add3A_23] : memref<507904xi32, #tpu.memory_space<hbm>> -> memref<128xi32, #tpu.memory_space<hbm>>
          %dma_wait3A_44 = tpu.memref_slice %arg3[%add3A_23] : memref<507904xi32, #tpu.memory_space<hbm>> -> memref<128xi32, #tpu.memory_space<hbm>>
          tpu.wait_dma2 semaphore(%run_scoped3A : memref<!tpu.dma_semaphore, #tpu.memory_space<semaphore_mem>>) src(%dma_wait3A_44 : memref<128xi32, #tpu.memory_space<hbm>>) dst(%arg6 : memref<128xi32, #tpu.memory_space<vmem>>)
          tpu.yield
        }) : () -> ()
        "tpu.region"() ({
          %run_scoped3A = tpu.sem_alloc : memref<!tpu.dma_semaphore, #tpu.memory_space<semaphore_mem>>
          %dma_start3A_41 = tpu.memref_slice %arg4[%add3A_23] : memref<507904xi32, #tpu.memory_space<hbm>> -> memref<128xi32, #tpu.memory_space<hbm>>
          %dma_start3A_42 = tpu.memref_slice %arg4[%add3A_23] : memref<507904xi32, #tpu.memory_space<hbm>> -> memref<128xi32, #tpu.memory_space<hbm>>
          tpu.enqueue_dma source(%dma_start3A_42 : memref<128xi32, #tpu.memory_space<hbm>>) target(%arg7 : memref<128xi32, #tpu.memory_space<vmem>>) target_semaphore(%run_scoped3A : memref<!tpu.dma_semaphore, #tpu.memory_space<semaphore_mem>>)
          %dma_wait3A_43 = tpu.memref_slice %arg4[%add3A_23] : memref<507904xi32, #tpu.memory_space<hbm>> -> memref<128xi32, #tpu.memory_space<hbm>>
          %dma_wait3A_44 = tpu.memref_slice %arg4[%add3A_23] : memref<507904xi32, #tpu.memory_space<hbm>> -> memref<128xi32, #tpu.memory_space<hbm>>
          tpu.wait_dma2 semaphore(%run_scoped3A : memref<!tpu.dma_semaphore, #tpu.memory_space<semaphore_mem>>) src(%dma_wait3A_44 : memref<128xi32, #tpu.memory_space<hbm>>) dst(%arg7 : memref<128xi32, #tpu.memory_space<vmem>>)
          tpu.yield
        }) : () -> ()
        %dma_start3A = arith.constant 0 : i32
        %dma_start3A_24 = arith.constant 0 : i32
        %dma_start3A_25 = tpu.memref_slice %arg2[%dma_start3A, %dma_start3A_24] : memref<100000x128xf32, #tpu.memory_space<hbm>> -> memref<100000x128xf32, #tpu.memory_space<hbm>>
        tpu.enqueue_indirect_dma source(%dma_start3A_25 : memref<100000x128xf32, #tpu.memory_space<hbm>>) target(%arg8 : memref<128x128xf32, #tpu.memory_space<vmem>>) offsets(%arg6 : memref<128xi32, #tpu.memory_space<vmem>>) semaphore(%arg11 : memref<!tpu.dma_semaphore, #tpu.memory_space<semaphore_mem>>)
        %dma_start3A_26 = arith.constant 0 : i32
        %dma_start3A_27 = arith.constant 0 : i32
        %dma_start3A_28 = tpu.memref_slice %arg2[%dma_start3A_26, %dma_start3A_27] : memref<100000x128xf32, #tpu.memory_space<hbm>> -> memref<100000x128xf32, #tpu.memory_space<hbm>>
        tpu.enqueue_indirect_dma source(%dma_start3A_28 : memref<100000x128xf32, #tpu.memory_space<hbm>>) target(%arg9 : memref<128x128xf32, #tpu.memory_space<vmem>>) offsets(%arg7 : memref<128xi32, #tpu.memory_space<vmem>>) semaphore(%arg12 : memref<!tpu.dma_semaphore, #tpu.memory_space<semaphore_mem>>)
        %dma_wait3A = arith.constant 0 : i32
        %dma_wait3A_29 = arith.constant 0 : i32
        %dma_wait3A_30 = tpu.memref_slice %arg2[%dma_wait3A, %dma_wait3A_29] : memref<100000x128xf32, #tpu.memory_space<hbm>> -> memref<100000x128xf32, #tpu.memory_space<hbm>>
        tpu.wait_indirect_dma semaphore(%arg11 : memref<!tpu.dma_semaphore, #tpu.memory_space<semaphore_mem>>) src(%dma_wait3A_30 : memref<100000x128xf32, #tpu.memory_space<hbm>>) dst(%arg8 : memref<128x128xf32, #tpu.memory_space<vmem>>)
        %dma_wait3A_31 = arith.constant 0 : i32
        %dma_wait3A_32 = arith.constant 0 : i32
        %dma_wait3A_33 = tpu.memref_slice %arg2[%dma_wait3A_31, %dma_wait3A_32] : memref<100000x128xf32, #tpu.memory_space<hbm>> -> memref<100000x128xf32, #tpu.memory_space<hbm>>
        tpu.wait_indirect_dma semaphore(%arg12 : memref<!tpu.dma_semaphore, #tpu.memory_space<semaphore_mem>>) src(%dma_wait3A_33 : memref<100000x128xf32, #tpu.memory_space<hbm>>) dst(%arg9 : memref<128x128xf32, #tpu.memory_space<vmem>>)
        %scan3A_34 = arith.constant 0 : i32
        %scan3A_35 = arith.constant 0 : i32
        %scan3A_36 = arith.constant 8 : i32
        %scan3A_37 = arith.addi %scan3A_35, %scan3A_36 : i32
        %scan3A_38 = arith.constant 1 : i32
        %scan3A_39 = scf.for %scan3A_41 = %scan3A_35 to %scan3A_37 step %scan3A_38 iter_args(%scan3A_42 = %scan3A_34) -> (i32)  : i32 {
          %broadcast_in_dim3A_43 = arith.constant 0.000000e+00 : f32
          %broadcast_in_dim3A_44 = vector.broadcast %broadcast_in_dim3A_43 : f32 to vector<16xf32>
          %scan3A_45 = arith.constant 0 : i32
          %scan3A_46 = arith.constant 16 : i32
          %scan3A_47 = arith.addi %scan3A_45, %scan3A_46 : i32
          %scan3A_48 = arith.constant 1 : i32
          %scan3A_49 = scf.for %scan3A_55 = %scan3A_45 to %scan3A_47 step %scan3A_48 iter_args(%scan3A_56 = %broadcast_in_dim3A_44) -> (vector<16xf32>)  : i32 {
            %mul3A_57 = arith.constant 16 : i32
            %mul3A_58 = arith.muli %scan3A_41, %mul3A_57 : i32
            %add3A_59 = arith.addi %mul3A_58, %scan3A_55 : i32
            %get3A = arith.index_cast %add3A_59 : i32 to index
            %get3A_60 = arith.constant 0 : index
            %get3A_61 = tpu.vector_load %arg8[%get3A, %get3A_60] {strides = array<i32>} : memref<128x128xf32, #tpu.memory_space<vmem>>, vector<16xf32>,
            %get3A_62 = arith.index_cast %add3A_59 : i32 to index
            %get3A_63 = arith.constant 0 : index
            %get3A_64 = tpu.vector_load %arg9[%get3A_62, %get3A_63] {strides = array<i32>} : memref<128x128xf32, #tpu.memory_space<vmem>>, vector<16xf32>,
            %mul3A_65 = arith.mulf %get3A_61, %get3A_64 : vector<16xf32>
            %get3A_66 = arith.index_cast %add3A_59 : i32 to index
            %get3A_67 = arith.constant 16 : index
            %get3A_68 = tpu.vector_load %arg8[%get3A_66, %get3A_67] {strides = array<i32>} : memref<128x128xf32, #tpu.memory_space<vmem>>, vector<16xf32>,
            %get3A_69 = arith.index_cast %add3A_59 : i32 to index
            %get3A_70 = arith.constant 16 : index
            %get3A_71 = tpu.vector_load %arg9[%get3A_69, %get3A_70] {strides = array<i32>} : memref<128x128xf32, #tpu.memory_space<vmem>>, vector<16xf32>,
            %mul3A_72 = arith.mulf %get3A_68, %get3A_71 : vector<16xf32>
            %get3A_73 = arith.index_cast %add3A_59 : i32 to index
            %get3A_74 = arith.constant 32 : index
            %get3A_75 = tpu.vector_load %arg8[%get3A_73, %get3A_74] {strides = array<i32>} : memref<128x128xf32, #tpu.memory_space<vmem>>, vector<16xf32>,
            %get3A_76 = arith.index_cast %add3A_59 : i32 to index
            %get3A_77 = arith.constant 32 : index
            %get3A_78 = tpu.vector_load %arg9[%get3A_76, %get3A_77] {strides = array<i32>} : memref<128x128xf32, #tpu.memory_space<vmem>>, vector<16xf32>,
            %mul3A_79 = arith.mulf %get3A_75, %get3A_78 : vector<16xf32>
            %get3A_80 = arith.index_cast %add3A_59 : i32 to index
            %get3A_81 = arith.constant 48 : index
            %get3A_82 = tpu.vector_load %arg8[%get3A_80, %get3A_81] {strides = array<i32>} : memref<128x128xf32, #tpu.memory_space<vmem>>, vector<16xf32>,
            %get3A_83 = arith.index_cast %add3A_59 : i32 to index
            %get3A_84 = arith.constant 48 : index
            %get3A_85 = tpu.vector_load %arg9[%get3A_83, %get3A_84] {strides = array<i32>} : memref<128x128xf32, #tpu.memory_space<vmem>>, vector<16xf32>,
            %mul3A_86 = arith.mulf %get3A_82, %get3A_85 : vector<16xf32>
            %get3A_87 = arith.index_cast %add3A_59 : i32 to index
            %get3A_88 = arith.constant 64 : index
            %get3A_89 = tpu.vector_load %arg8[%get3A_87, %get3A_88] {strides = array<i32>} : memref<128x128xf32, #tpu.memory_space<vmem>>, vector<16xf32>,
            %get3A_90 = arith.index_cast %add3A_59 : i32 to index
            %get3A_91 = arith.constant 64 : index
            %get3A_92 = tpu.vector_load %arg9[%get3A_90, %get3A_91] {strides = array<i32>} : memref<128x128xf32, #tpu.memory_space<vmem>>, vector<16xf32>,
            %mul3A_93 = arith.mulf %get3A_89, %get3A_92 : vector<16xf32>
            %get3A_94 = arith.index_cast %add3A_59 : i32 to index
            %get3A_95 = arith.constant 80 : index
            %get3A_96 = tpu.vector_load %arg8[%get3A_94, %get3A_95] {strides = array<i32>} : memref<128x128xf32, #tpu.memory_space<vmem>>, vector<16xf32>,
            %get3A_97 = arith.index_cast %add3A_59 : i32 to index
            %get3A_98 = arith.constant 80 : index
            %get3A_99 = tpu.vector_load %arg9[%get3A_97, %get3A_98] {strides = array<i32>} : memref<128x128xf32, #tpu.memory_space<vmem>>, vector<16xf32>,
            %mul3A_100 = arith.mulf %get3A_96, %get3A_99 : vector<16xf32>
            %get3A_101 = arith.index_cast %add3A_59 : i32 to index
            %get3A_102 = arith.constant 96 : index
            %get3A_103 = tpu.vector_load %arg8[%get3A_101, %get3A_102] {strides = array<i32>} : memref<128x128xf32, #tpu.memory_space<vmem>>, vector<16xf32>,
            %get3A_104 = arith.index_cast %add3A_59 : i32 to index
            %get3A_105 = arith.constant 96 : index
            %get3A_106 = tpu.vector_load %arg9[%get3A_104, %get3A_105] {strides = array<i32>} : memref<128x128xf32, #tpu.memory_space<vmem>>, vector<16xf32>,
            %mul3A_107 = arith.mulf %get3A_103, %get3A_106 : vector<16xf32>
            %get3A_108 = arith.index_cast %add3A_59 : i32 to index
            %get3A_109 = arith.constant 112 : index
            %get3A_110 = tpu.vector_load %arg8[%get3A_108, %get3A_109] {strides = array<i32>} : memref<128x128xf32, #tpu.memory_space<vmem>>, vector<16xf32>,
            %get3A_111 = arith.index_cast %add3A_59 : i32 to index
            %get3A_112 = arith.constant 112 : index
            %get3A_113 = tpu.vector_load %arg9[%get3A_111, %get3A_112] {strides = array<i32>} : memref<128x128xf32, #tpu.memory_space<vmem>>, vector<16xf32>,
            %mul3A_114 = arith.mulf %get3A_110, %get3A_113 : vector<16xf32>
            %mul3A_115 = arith.mulf %mul3A_65, %select_n3A : vector<16xf32>
            %add3A_116 = arith.addf %mul3A_115, %mul3A_72 : vector<16xf32>
            %add3A_117 = arith.addf %mul3A_79, %mul3A_86 : vector<16xf32>
            %add3A_118 = arith.addf %add3A_116, %add3A_117 : vector<16xf32>
            %add3A_119 = arith.addf %mul3A_93, %mul3A_100 : vector<16xf32>
            %add3A_120 = arith.addf %mul3A_107, %mul3A_114 : vector<16xf32>
            %add3A_121 = arith.addf %add3A_119, %add3A_120 : vector<16xf32>
            %add3A_122 = arith.addf %add3A_118, %add3A_121 : vector<16xf32>
            %eq3A_123 = vector.broadcast %scan3A_55 : i32 to vector<16xi32>
            %eq3A_124 = arith.cmpi eq, %iota3A, %eq3A_123 : vector<16xi32>
            %reduce_sum3A = arith.constant true
            %reduce_sum3A_125 = vector.broadcast %reduce_sum3A : i1 to vector<16xi1>
            %reduce_sum3A_126 = tpu.scan <sum>, %add3A_122 masked %reduce_sum3A_125 : vector<16xf32>, vector<16xi1> -> vector<16xf32>
            %reduce_sum3A_127 = vector.extract %reduce_sum3A_126[15] : f32 from vector<16xf32>
            %broadcast_in_dim3A_128 = vector.broadcast %reduce_sum3A_127 : f32 to vector<16xf32>
            %select_n3A_129 = arith.select %eq3A_124, %broadcast_in_dim3A_128, %scan3A_56 : vector<16xi1>, vector<16xf32>
            scf.yield %select_n3A_129 : vector<16xf32>
          }
          %scan3A_50 = arith.constant 16 : i32
          %mul3A_51 = arith.constant 16 : i32
          %mul3A_52 = arith.muli %scan3A_41, %mul3A_51 : i32
          %swap3A = arith.index_cast %mul3A_52 : i32 to index
          %swap3A_53 = tpu.vector_load %arg10[%swap3A] {strides = array<i32>} : memref<128xf32, #tpu.memory_space<vmem>>, vector<16xf32>,
          tpu.vector_store %arg10[%swap3A], %scan3A_49 {strides = array<i32>} : memref<128xf32, #tpu.memory_space<vmem>>, vector<16xf32>,
          %scan3A_54 = arith.constant 0 : i32
          scf.yield %scan3A_54 : i32
        }
        %scan3A_40 = arith.constant 8 : i32
        "tpu.region"() ({
          %run_scoped3A = tpu.sem_alloc : memref<!tpu.dma_semaphore, #tpu.memory_space<semaphore_mem>>
          %dma_start3A_41 = tpu.memref_slice %arg5[%add3A_23] : memref<507904xf32, #tpu.memory_space<hbm>> -> memref<128xf32, #tpu.memory_space<hbm>>
          %dma_start3A_42 = tpu.memref_slice %arg5[%add3A_23] : memref<507904xf32, #tpu.memory_space<hbm>> -> memref<128xf32, #tpu.memory_space<hbm>>
          tpu.enqueue_dma source(%arg10 : memref<128xf32, #tpu.memory_space<vmem>>) target(%dma_start3A_42 : memref<128xf32, #tpu.memory_space<hbm>>) target_semaphore(%run_scoped3A : memref<!tpu.dma_semaphore, #tpu.memory_space<semaphore_mem>>)
          %dma_wait3A_43 = tpu.memref_slice %arg5[%add3A_23] : memref<507904xf32, #tpu.memory_space<hbm>> -> memref<128xf32, #tpu.memory_space<hbm>>
          %dma_wait3A_44 = tpu.memref_slice %arg5[%add3A_23] : memref<507904xf32, #tpu.memory_space<hbm>> -> memref<128xf32, #tpu.memory_space<hbm>>
          tpu.wait_dma2 semaphore(%run_scoped3A : memref<!tpu.dma_semaphore, #tpu.memory_space<semaphore_mem>>) src(%arg10 : memref<128xf32, #tpu.memory_space<vmem>>) dst(%dma_wait3A_44 : memref<128xf32, #tpu.memory_space<hbm>>)
          tpu.yield
        }) : () -> ()
      }
      %scan3A_19 = arith.constant 48 : i32
    } else {
    }
    return
  }
}

module attributes {stable_mosaic.version = 14 : i64} {
  func.func @_decode_body(%arg0: memref<3968x128xf32, #tpu.memory_space<vmem>>, %arg1: memref<3968x128xf32, #tpu.memory_space<vmem>>) attributes {dimension_semantics = [], scalar_prefetch = 0 : i64, scratch_operands = 0 : i64, tpu.core_type = #tpu.core_type<tc>} {
    %get3A = arith.constant 0 : index
    %get3A_0 = arith.constant 0 : index
    %get3A_1 = vector.load %arg0[%get3A, %get3A_0] : memref<3968x128xf32, #tpu.memory_space<vmem>>, vector<3968x128xf32>
    %neg3A = arith.constant 0.000000e+00 : f32
    %neg3A_2 = vector.broadcast %neg3A : f32 to vector<3968x128xf32>
    %neg3A_3 = arith.subf %neg3A_2, %get3A_1 : vector<3968x128xf32>
    %max3A = arith.constant 1.00000012 : f32
    %max3A_4 = vector.broadcast %max3A : f32 to vector<3968x128xf32>
    %max3A_5 = arith.maximumf %neg3A_3, %max3A_4 : vector<3968x128xf32>
    %sub3A = arith.constant 1.000000e+00 : f32
    %sub3A_6 = vector.broadcast %sub3A : f32 to vector<3968x128xf32>
    %sub3A_7 = arith.subf %max3A_5, %sub3A_6 : vector<3968x128xf32>
    %sqrt3A = math.sqrt %sub3A_7 : vector<3968x128xf32>
    %add3A = arith.constant 1.000000e+00 : f32
    %add3A_8 = vector.broadcast %add3A : f32 to vector<3968x128xf32>
    %add3A_9 = arith.addf %max3A_5, %add3A_8 : vector<3968x128xf32>
    %sqrt3A_10 = math.sqrt %add3A_9 : vector<3968x128xf32>
    %mul3A = arith.mulf %sqrt3A, %sqrt3A_10 : vector<3968x128xf32>
    %add3A_11 = arith.addf %max3A_5, %mul3A : vector<3968x128xf32>
    %log3A = math.log %add3A_11 : vector<3968x128xf32>
    %mul3A_12 = arith.mulf %log3A, %log3A : vector<3968x128xf32>
    %min3A = arith.constant 5.000000e+01 : f32
    %min3A_13 = vector.broadcast %min3A : f32 to vector<3968x128xf32>
    %min3A_14 = arith.minimumf %mul3A_12, %min3A_13 : vector<3968x128xf32>
    %sub3A_15 = arith.constant 2.000000e+00 : f32
    %sub3A_16 = vector.broadcast %sub3A_15 : f32 to vector<3968x128xf32>
    %sub3A_17 = arith.subf %min3A_14, %sub3A_16 : vector<3968x128xf32>
    %div3A = arith.constant 1.000000e+00 : f32
    %div3A_18 = vector.broadcast %div3A : f32 to vector<3968x128xf32>
    %div3A_19 = arith.divf %sub3A_17, %div3A_18 : vector<3968x128xf32>
    %exp3A = math.exp %div3A_19 : vector<3968x128xf32>
    %add3A_20 = arith.constant 1.000000e+00 : f32
    %add3A_21 = vector.broadcast %add3A_20 : f32 to vector<3968x128xf32>
    %add3A_22 = arith.addf %exp3A, %add3A_21 : vector<3968x128xf32>
    %div3A_23 = arith.constant 1.000000e+00 : f32
    %div3A_24 = vector.broadcast %div3A_23 : f32 to vector<3968x128xf32>
    %div3A_25 = arith.divf %div3A_24, %add3A_22 : vector<3968x128xf32>
    %swap3A = arith.constant 0 : index
    %swap3A_26 = arith.constant 0 : index
    %swap3A_27 = vector.load %arg1[%swap3A, %swap3A_26] : memref<3968x128xf32, #tpu.memory_space<vmem>>, vector<3968x128xf32>
    tpu.vector_store %arg1[%swap3A, %swap3A_26], %div3A_25 {strides = array<i32>} : memref<3968x128xf32, #tpu.memory_space<vmem>>, vector<3968x128xf32>,
    return
  }
}

</mosaic_0001>

<sc_bundles>
// kernel: kernel.4.cloned.1.call-start
scs
__scs_entry_jumppad:
0x0: {  	(pc) =	sbr.rel $0x88, $3  }
0x1: {  	(tag) =	ssettag $0x0;
	lr =	simm.s32 $0x1  }
0x2: {  	[smem:$0x3F9F] =	sst lr;
	_ =	strace $0xD0000000  }
0x3: {  	_ = 	snop  }
0x4: {  	_ = 	snop  }
0x5: {  	_ = 	snop  }
0x6: {  	_ = 	snop  }
0x7: {  	_ = 	snop  }
__scs_overlays_trampoline_lowered:
0x8: {  	[smem:$0x3FAE] =	sst s0  }
0x9: {  	[smem:$0x3FAF] =	sst s1  }
0xa: {  	[smem:$0x3FB0] =	sst s2  }
0xb: {  	[smem:$0x3FB1] =	sst s3  }
0xc: {  	[smem:$0x3FB2] =	sst s4  }
0xd: {  	[smem:$0x3FB3] =	sst s5  }
0xe: {  	[smem:$0x3FB4] =	sst s6  }
0xf: {  	[smem:$0x3FB5] =	sst s7  }
0x10: {  	[smem:$0x3FB6] =	sst s8  }
0x11: {  	[smem:$0x3FB7] =	sst s9;
	s0 =	simm.s32 @!p0 $0x0  }
0x12: {  	s1 =	sld [smem:$0x3F9D];
	s0 =	simm.s32 @p0 $0x1  }
0x13: {  	[smem:$0x3FB8] =	sst s0;
	s0 =	simm.s32 @!p1 $0x0  }
0x14: {  	s2 =	sld [smem:$0x3F9C];
	s0 =	simm.s32 @p1 $0x1  }
0x15: {  	[smem:$0x3FB9] =	sst s0;
	s0 =	simm.s32 @!p2 $0x0  }
0x16: {  	s3 =	sld [smem:$0x3FDB];
	s0 =	simm.s32 @p2 $0x1  }
0x17: {  	s4 =	simm.s32 $0x1BF5;
	[smem:$0x3FBB] =	sst s0  }
0x18: {  	s0 =	sld [smem:$0x3F9E];
	_ =	swait.ge [sflag:s4], $0x0  }
0x19: {  	s7 =	sld [smem:$0x3F9F]  }
0x1a: {  	s8 =	sadd.s32 $0xFFFFE003, lr  }
0x1b: {  	s9 =	sadd.s32 $0xFFFFFEF7, lr;
	s5 =	simm.s32 $0xFFFFFFFF;
	p2 =	slt.u32 s8, $0xFFFFF086  }
0x1c: {  	p1 =	slt.u32 s9, $0xF7A;
	s5 =	simm.s32 @!p2 $0x0  }
0x1d: {  	s5 =	simm.s32 @p1 $0x1;
	p0 =	seq.s32 s7, s2  }
0x1e: {  	s7 =	smul.u32 @!p0 $0xF7A, s2;
	p2 =	seq.s32 @!p0 s5, $0x0  }
0x1f: {  	s9 =	smul.u32 $0xF7A, s1;
	s8 =	simm.s32 @!p0 $0x1BF5;
	p2 =	por !p2, p0  }
0x20: {  	[sflag:s8] =	ssyncset.s32 @!p0 $0xFFFFF086;
	s6 =	sadd.s32 @!p0 s3, s7;
	s7 =	simm.s32 @!p0 $0x108  }
0x21: {  	s3 =	sadd.s32 s3, s9;
	s6 =	sadd.s32 @!p0 $0x88, s6;
	s7 =	simm.s32 @p2 $0x1082  }
0x22: {  	[simem:s7], [sflag:s8] =	dma.local @!p0 [hbm:s6], $0xF7A  }
0x23: {  	s9 =	sor.u32 $0xD0000000, s2;
	s6 =	simm.s32 $0x108;
	_ =	swait.ge @!p0 [sflag:s8], $0x0  }
0x24: {  	s3 =	sadd.s32 $0x88, s3;
	s6 =	simm.s32 @!p1 $0x1082;
	[sflag:s4] =	ssyncset.s32 $0xFFFFF086  }
0x25: {  	[simem:s6], [sflag:s4] =	dma.local [hbm:s3], $0xF7A  }
0x26: {  	[smem:$0x3F9F] =	sst s1;
	(tag) =	ssettag s2;
	_ =	strace s9  }
0x27: {  	s1 =	sld [smem:$0x3FAF]  }
0x28: {  	s2 =	sld [smem:$0x3FB0]  }
0x29: {  	s4 =	sld [smem:$0x3FB2]  }
0x2a: {  	p0 =	seq.s32 s5, $0x0;
	s5 =	sld [smem:$0x3FB3]  }
0x2b: {  	s6 =	sld [smem:$0x3FB4]  }
0x2c: {  	s7 =	sld [smem:$0x3FB5]  }
0x2d: {  	s3 =	simm.s32 $0x108;
	s8 =	sld [smem:$0x3FB6]  }
0x2e: {  	s3 =	simm.s32 @!p0 $0x1082;
	s9 =	sld [smem:$0x3FB7]  }
0x2f: {  	lr =	sadd.s32 s0, s3;
	s0 =	sld [smem:$0x3FAE]  }
0x30: {  	s3 =	sld [smem:$0x3FB1]  }
0x31: {  	[smem:$0x3FBA] =	sst s10  }
0x32: {  	s10 =	sld [smem:$0x3FB8];
	_ =	sdelay $0x3  }
0x33: {  	p0 =	seq.s32 s10, $0x1;
	s10 =	sld [smem:$0x3FBA];
	_ =	sdelay $0x3  }
0x34: {  	[smem:$0x3FBA] =	sst s10  }
0x35: {  	s10 =	sld [smem:$0x3FB9];
	_ =	sdelay $0x3  }
0x36: {  	p1 =	seq.s32 s10, $0x1;
	s10 =	sld [smem:$0x3FBA];
	_ =	sdelay $0x3  }
0x37: {  	[smem:$0x3FBA] =	sst s10  }
0x38: {  	s10 =	sld [smem:$0x3FBB]  }
0x39: {  	_ = 	snop;
	(pc) =	sbr.ind lr, $3  }
0x3a: {  	_ = 	snop  }
0x3b: {  	_ = 	snop  }
0x3c: {  	p2 =	seq.s32 s10, $0x1;
	s10 =	sld [smem:$0x3FBA]  }
0x3d: {  	_ =	shalt  }
0x3e: {  	_ =	shalt  }
0x3f: {  	_ =	shalt  }
0x40: {  	_ =	shalt  }
0x41: {  	_ =	shalt  }
0x42: {  	_ =	shalt  }
0x43: {  	_ =	shalt  }
0x44: {  	_ =	shalt  }
0x45: {  	_ =	shalt  }
0x46: {  	_ =	shalt  }
0x47: {  	_ =	shalt  }
0x48: {  	_ =	shalt  }
0x49: {  	_ =	shalt  }
0x4a: {  	_ =	shalt  }
0x4b: {  	_ =	shalt  }
0x4c: {  	_ =	shalt  }
0x4d: {  	_ =	shalt  }
0x4e: {  	_ =	shalt  }
0x4f: {  	_ =	shalt  }
0x50: {  	_ =	shalt  }
0x51: {  	_ =	shalt  }
0x52: {  	_ =	shalt  }
0x53: {  	_ =	shalt  }
0x54: {  	_ =	shalt  }
0x55: {  	_ =	shalt  }
0x56: {  	_ =	shalt  }
0x57: {  	_ =	shalt  }
0x58: {  	_ =	shalt  }
0x59: {  	_ =	shalt  }
0x5a: {  	_ =	shalt  }
0x5b: {  	_ =	shalt  }
0x5c: {  	_ =	shalt  }
0x5d: {  	_ =	shalt  }
0x5e: {  	_ =	shalt  }
0x5f: {  	_ =	shalt  }
0x60: {  	_ =	shalt  }
0x61: {  	_ =	shalt  }
0x62: {  	_ =	shalt  }
0x63: {  	_ =	shalt  }
0x64: {  	_ =	shalt  }
0x65: {  	_ =	shalt  }
0x66: {  	_ =	shalt  }
0x67: {  	_ =	shalt  }
0x68: {  	_ =	shalt  }
0x69: {  	_ =	shalt  }
0x6a: {  	_ =	shalt  }
0x6b: {  	_ =	shalt  }
0x6c: {  	_ =	shalt  }
0x6d: {  	_ =	shalt  }
0x6e: {  	_ =	shalt  }
0x6f: {  	_ =	shalt  }
0x70: {  	_ =	shalt  }
0x71: {  	_ =	shalt  }
0x72: {  	_ =	shalt  }
0x73: {  	_ =	shalt  }
0x74: {  	_ =	shalt  }
0x75: {  	_ =	shalt  }
0x76: {  	_ =	shalt  }
0x77: {  	_ =	shalt  }
0x78: {  	_ =	shalt  }
0x79: {  	_ =	shalt  }
0x7a: {  	_ =	shalt  }
0x7b: {  	_ =	shalt  }
0x7c: {  	_ =	shalt  }
0x7d: {  	_ =	shalt  }
0x7e: {  	_ =	shalt  }
0x7f: {  	_ =	shalt  }
0x80: {  	_ =	shalt  }
0x81: {  	_ =	shalt  }
0x82: {  	_ =	shalt  }
0x83: {  	_ =	shalt  }
0x84: {  	_ =	shalt  }
0x85: {  	_ =	shalt  }
0x86: {  	_ =	shalt  }
0x87: {  	_ =	shalt  }
.Lfunc_end0:
.L_simem_size_0:
called_computation_lowered:
.L_overlay_start_0:
0x88: {  	s2 =	sld [smem:$0x3FD9]  }
0x89: {  	s3 =	sld [smem:$0x3FFE];
	_ =	sdelay $0x1  }
0x8a: {  	s1 =	srdreg.scid  }
0x8b: {  	s0 =	sand.u32 $0x1, s1  }
0x8c: {  	s17 =	sshll.u32 s0, $0xA;
	s2 =	sadd.s32 s3, s2  }
0x8d: {  	s2 =	sadd.s32 s2, s17  }
0x8e: {  	[smem:$0x3FC6] =	sst s2  }
0x8f: {  	_ = 	snop  }
0x90: {  	s2 =	sld [smem:$0x3FC9];
	(tm) =	ssettm $0x1  }
0x91: {  	s18 =	sld [smem:$0x3FFB];
	_ =	sdelay $0x3  }
0x92: {  	_ =	strace s18  }
0x93: {  	s3 =	sld [smem:$0x3FFC];
	_ =	sdelay $0x3  }
0x94: {  	_ =	strace s3  }
0x95: {  	s3 =	sld [smem:$0x3FFD];
	_ =	sdelay $0x3  }
0x96: {  	_ =	strace s3  }
0x97: {  	_ =	strace $0x8FFFFFFF  }
0x98: {  	s19 =	sld [smem:$0x3FDB];
	_ =	sdelay $0x1  }
0x99: {  	s4 =	simm.s32 $_scs_section_size  }
0x9a: {  	s5 =	simm.s32 $_size__tile_overlayer_lowered;
	s6 =	simm.s32 $_tile_overlayer_lowered  }
0x9b: {  	s22 =	simm.s32 $0x1BFF;
	s21 =	sshll.u32 s6, $0x1;
	s3 =	sadd.s32 s4, s19  }
0x9c: {  	s7 =	simm.s32 $0x0;
	s20 =	sshll.u32 s5, $0x1;
	s5 =	sadd.s32 s21, s3  }
0x9d: {  	[timem:s7], [sflag:s22] =	dma.local [hbm:s5], s20  }
0x9e: {  	_ =	swait.ge [sflag:s22], s20  }
0x9f: {  	s4 =	ssub.s32 $0x0, s20;
	[sflag:s22] =	ssyncset.done $0x0  }
0xa0: {  	[sflag:s22] =	ssyncadd.s32 s4;
	_ =	sdelay $0x1  }
0xa1: {  	s23 =	simm.s32 $0x1B8B  }
0xa2: {  	_ =	swait.ge [sflag:s23], $0x1  }
0xa3: {  	[sflag:s23] =	ssyncset.done $0x0  }
0xa4: {  	s25 =	simm.s32 $0x1B8E;
	s24 =	sld [smem:$0x3FFE];
	[sflag:s23] =	ssyncadd.s32 $0xFFFFFFFF  }
0xa5: {  	s26 =	simm.s32 $execute0_lowered;
	[smem:$0x3FD2] =	sst s25  }
0xa6: {  	s5 =	sshll.u32 s26, $0x1;
	_ =	strace $0x80000046;
	[dreg:$0x1] =	wrdreg $0xFFFFFFFF  }
0xa7: {  	s28 =	simm.s32 $_size_execute0_lowered;
	s3 =	sadd.s32 s3, s5;
	[dreg:$0x0] =	wrdreg $0x0  }
0xa8: {  	s5 =	sshll.u32 s28, $0x1;
	[dreg:$0x2] =	wrdreg s3  }
0xa9: {  	[dreg:$0x3] =	wrdreg s5  }
0xaa: {  	[dreg:$0x4] =	wrdreg $0xC0  }
0xab: {  	_ =	task [dreg:s7], $0x5FFFF  }
0xac: {  	[dreg:$0x1] =	wrdreg $0xFFFFFFFF  }
0xad: {  	[dreg:$0x0] =	wrdreg $0x60  }
0xae: {  	[dreg:$0x2] =	wrdreg s2  }
0xaf: {  	[dreg:$0x3] =	wrdreg s24  }
0xb0: {  	[dreg:$0x4] =	wrdreg $0x9  }
0xb1: {  	_ =	task.clear_ibuf [dreg:s7], $0x5FFFF;
	_ =	strace $0x90000046  }
0xb2: {  	s29 =	simm.s32 $0x9;
	_ =	strace $0x80000048  }
0xb3: {  	_ =	swait.ge [sflag:s29], $0x1  }
0xb4: {  	[sflag:s29] =	ssyncadd.s32 $0xFFFFFFFF  }
0xb5: {  	_ =	strace $0x90000048  }
0xb6: {  	_ =	sfence  }
0xb7: {  	s30 =	sld [smem:$0x0];
	_ =	sdelay $0x2  }
0xb8: {  	s31 =	sshll.u32 s1, $0xD;
	s1 =	sshrl.u32 s1, $0x2  }
0xb9: {  	s3 =	sand.u32 $0x4000, s31;
	s1 =	sadd.s32 s1, s30  }
0xba: {  	s0 =	sor.u32 s3, s0;
	s1 =	sshll.u32 s1, $0x11  }
0xbb: {  	s0 =	sor.u32 s1, s0  }
0xbc: {  	s0 =	sadd.s32 $0x8F2B, s0  }
0xbd: {  	[sflag:s0] =	ssyncadd.remote.s32 $0x1  }
0xbe: {  	_ =	sfence.sel $0xFFFF  }
0xbf: {  	[dreg:$0x0] =	wrdreg $0xFFFFFFFF;
	(pc) =	sbr.abs _section_cstart, $3  }
0xc0: {  	[dreg:$0x1] =	wrdreg $0xFFFFFFFF  }
0xc1: {  	_ =	task.clear_ibuf [dreg:s7], $0x2FFFF;
	_ =	strace $0x9FFFFFFF  }
0xc2: {  	(tm) =	ssettm $0x7FFFFFFF  }
0xc3: {  	_ =	shalt  }
tec
execute0_lowered:
.L_overlay_start_1:
0x0: {  	(tag) =	ssettag $0x1  }
0x1: {  	s1 =	rddreg [dreg:$0x0]  }
0x2: {  	s2 =	rddreg [dreg:$0x1]  }
0x3: {  	s3 =	srdreg.scid;
	s0 =	rddreg [dreg:$0x2]  }
0x4: {  	s4 =	simm.s32 $0x0;
	s11 =	simm.s32 $0x80;
	s12 =	simm.s32 $0x100  }
0x5: {  	s13 =	simm.s32 $0x4100;
	s14 =	simm.s32 $0x1;
	s15 =	simm.s32 $0x2  }
0x6: {  	s16 =	simm.s32 $0x8100;
	s17 =	simm.s32 $0x0;
	[smem:$0x7FF] =	sst s4  }
.Ltmp0:
0x7: {  	s7 =	sand.u32 $0x1, s3;
	s3 =	stileid.u32;
	(pc) =	sbr.rel .LBB2_1-.Ltmp0, $4  }
0x8: {  	s5 =	sadd.s32 $0xF800, s2;
	s6 =	sadd.s32 $0x1F000, s2;
	s8 =	ssub.s32 $0x2, s7  }
0x9: {  	_ =	strace $0x80000047;
	s10 =	smul.u32 $0x1800, s3;
	s9 =	sshrl.u32 s8, $0x1  }
0xa: {  	v0 =	vimm.f32 $1.000000000e+00;
	vm0 =	vcmask $0x300;
	p0 =	seq.s32 s7, $0x1;
	s7 =	smul.u32 $0xC8, s3;
	s9 =	ssub.s32 s8, s9  }
0xb: {  	v1 =	vlaneseq.u32;
	v0 =	vsel vm0, $0xBF800000, v0;
	s8 =	sadd.s32 $0x64000, s10;
	s10 =	simm.s32 $0x3;
	s9 =	smax.u32 s9, $0x1  }
.LBB2_12:
0xc: {  	s17 =	sadd.s32 $0x1, s17  }
0xd: {  	p1 =	sne.s32 s17, s9  }
.Ltmp1:
0xe: {  	_ = 	snop;
	(pc) =	sbr.rel @!p1 .LBB2_13-.Ltmp1, $1  }
0xf: {  	_ =	sdelay $0x3  }
.LBB2_1:
.Ltmp2:
0x10: {  	(pc) =	sbr.rel @!p0 .LBB2_2-.Ltmp2, $2  }
0x11: {  	_ =	sdelay $0x2  }
0x12: {  	s18 =	simm.s32 $0x0;
	s19 =	simm.s32 $0x0  }
.LBB2_7:
0x13: {  	s18 =	sshll.u32 s19, $0x7  }
0x14: {  	s18 =	sadd.s32 s18, s8  }
0x15: {  	s18 =	sshrl.u32 s18, $0x3  }
0x16: {  	s20 =	simm.s32 $0x0;
	s21 =	sadd.s32 s5, s18  }
0x17: {  	[tilespmem:s20], [sflag:$0x3] =	stream.linear.gather [hbm4b:s21+s20], $0x80, $0x38;
	[tilespmem:$0x8180] =	vst v63  }
0x18: {  	_ =	swait.ge [sflag:s10], $0x80  }
0x19: {  	[sflag:s10] =	ssyncset.done $0x0  }
0x1a: {  	s31 =	sadd.s32 s2, s18;
	[sflag:s10] =	ssyncadd.s32 $0xFFFFFF80  }
0x1b: {  	[tilespmem:s11], [sflag:$0x3] =	stream.linear.gather [hbm4b:s31+s20], $0x80, $0x38;
	[tilespmem:$0x8180] =	vst v63  }
0x1c: {  	_ =	swait.ge [sflag:s10], $0x80  }
0x1d: {  	[sflag:s10] =	ssyncset.done $0x0  }
0x1e: {  	[sflag:s10] =	ssyncadd.s32 $0xFFFFFF80  }
0x1f: {  	[tilespmem:s12], [sflag:$0x1] =	stream.indirect.gather [hbm4b:s1+s11], $0x80, s20, s11, $0xb8;
	[tilespmem:$0x8180] =	vst v63  }
0x20: {  	_ = 	snop  }
0x21: {  	[tilespmem:s13], [sflag:$0x2] =	stream.indirect.gather [hbm4b:s1+s11], $0x80, s11, s11, $0xb8;
	[tilespmem:$0x8180] =	vst v63  }
0x22: {  	_ =	swait.ge [sflag:s14], $0x4000  }
0x23: {  	[sflag:s14] =	ssyncset.done $0x0  }
0x24: {  	[sflag:s14] =	ssyncadd.s32 $0xFFFFC000  }
0x25: {  	_ =	swait.ge [sflag:s15], $0x4000  }
0x26: {  	[sflag:s15] =	ssyncset.done $0x0  }
0x27: {  	s22 =	simm.s32 $0x4140;
	s21 =	simm.s32 $0x140;
	[sflag:s15] =	ssyncadd.s32 $0xFFFFC000  }
.LBB2_8:
0x28: {  	v3 =	vld [tilespmem:s21+$0xFFFFFFD0]  }
0x29: {  	v4 =	vld [tilespmem:s22+$0xFFFFFFD0]  }
0x2a: {  	v5 =	vld [tilespmem:s21+$0xFFFFFFE0]  }
0x2b: {  	v6 =	vld [tilespmem:s22+$0xFFFFFFE0]  }
0x2c: {  	v7 =	vld [tilespmem:s21+$0xFFFFFFF0]  }
0x2d: {  	v8 =	vld [tilespmem:s22+$0xFFFFFFF0]  }
0x2e: {  	v9 =	vld [tilespmem:s21+$0x0]  }
0x2f: {  	v10 =	vld [tilespmem:s22+$0x0]  }
0x30: {  	v11 =	vld [tilespmem:s21+$0x10]  }
0x31: {  	v12 =	vld [tilespmem:s22+$0x10]  }
0x32: {  	v13 =	vld [tilespmem:s21+$0x20]  }
0x33: {  	v14 =	vld [tilespmem:s22+$0x20]  }
0x34: {  	v15 =	vld [tilespmem:s21+$0xFFFFFFC0]  }
0x35: {  	v16 =	vld [tilespmem:s22+$0xFFFFFFC0]  }
0x36: {  	v17 =	vld [tilespmem:s21+$0x30]  }
0x37: {  	v18 =	vld [tilespmem:s22+$0x30];
	s23 =	sadd.s32 $0x80, s21  }
0x38: {  	s24 =	sadd.s32 $0x80, s22;
	v2 =	vld [tilespmem:s23+$0xFFFFFFD0];
	v3 =	vmul.f32 v4, v3  }
0x39: {  	v4 =	vld [tilespmem:s24+$0xFFFFFFD0];
	v19 =	vmul.f32 v6, v5;
	v20 =	vmul.f32 v8, v7  }
0x3a: {  	v5 =	vld [tilespmem:s23+$0xFFFFFFE0];
	v8 =	vmul.f32 v16, v15;
	v9 =	vmul.f32 v10, v9  }
0x3b: {  	v6 =	vld [tilespmem:s24+$0xFFFFFFE0];
	v10 =	vmul.f32 v12, v11;
	v11 =	vmul.f32 v14, v13  }
0x3c: {  	v7 =	vld [tilespmem:s23+$0xFFFFFFF0];
	v12 =	vmul.f32 v18, v17;
	v13 =	vmul.f32 v0, v8  }
0x3d: {  	v8 =	vld [tilespmem:s24+$0xFFFFFFF0];
	v14 =	vadd.f32 v20, v19;
	v15 =	vadd.f32 v10, v9  }
0x3e: {  	v9 =	vld [tilespmem:s23+$0x0];
	v12 =	vadd.f32 v12, v11;
	v3 =	vadd.f32 v3, v13  }
0x3f: {  	v10 =	vld [tilespmem:s24+$0x0]  }
0x40: {  	v11 =	vld [tilespmem:s23+$0x10];
	v3 =	vadd.f32 v14, v3;
	v14 =	vadd.f32 v12, v15  }
0x41: {  	v13 =	vld [tilespmem:s23+$0x20]  }
0x42: {  	v12 =	vld [tilespmem:s24+$0x10];
	v16 =	vadd.f32 v14, v3  }
0x43: {  	v15 =	vld [tilespmem:s23+$0xFFFFFFC0]  }
0x44: {  	v14 =	vld [tilespmem:s24+$0x20];
	(xrf2) =	vadd.scan.msk.f32 $0xffff, v16  }
0x45: {  	s25 =	simm.s32 $0x1;
	s28 =	simm.s32 $0x2;
	s26 =	simm.s32 $0x0;
	v3 =	vimm.f32 $0.0e+00;
	v16 =	vld [tilespmem:s24+$0xFFFFFFC0]  }
.LBB2_9:
0x46: {  	p1 =	sne.s32 s28, $0xF;
	v17 =	vld [tilespmem:s23+$0x30]  }
0x47: {  	s23 =	sadd.s32 $0x80, s23;
	v18 =	vld [tilespmem:s24+$0x30]  }
0x48: {  	v19 =	vmul.f32 v4, v2;
	s24 =	sadd.s32 $0x80, s24;
	v2 =	vld [tilespmem:s23+$0xFFFFFFD0]  }
0x49: {  	v20 =	vmul.f32 v6, v5;
	v21 =	vmul.f32 v8, v7;
	v4 =	vld [tilespmem:s24+$0xFFFFFFD0]  }
0x4a: {  	v9 =	vmul.f32 v10, v9;
	v5 =	vld [tilespmem:s23+$0xFFFFFFE0];
	v8 =	vmul.f32 v16, v15  }
0x4b: {  	v10 =	vmul.f32 v12, v11;
	v16 =	vmul.f32 v14, v13;
	v6 =	vld [tilespmem:s24+$0xFFFFFFE0]  }
0x4c: {  	v7 =	vld [tilespmem:s23+$0xFFFFFFF0];
	v12 =	vmul.f32 v18, v17;
	v13 =	vmul.f32 v0, v8  }
0x4d: {  	v14 =	vadd.f32 v21, v20;
	v15 =	vadd.f32 v10, v9;
	v8 =	vld [tilespmem:s24+$0xFFFFFFF0]  }
0x4e: {  	v9 =	vld [tilespmem:s23+$0x0];
	v13 =	vadd.f32 v19, v13;
	v12 =	vadd.f32 v12, v16;
	v11, _, _ =	vpop (xrf2)  }
0x4f: {  	v16 =	vmov s26;
	s26 =	smov.u32 s25;
	s25 =	smov.u32 s28;
	v10 =	vld [tilespmem:s24+$0x0];
	v17 =	vbroadcast v11, $0xF  }
0x50: {  	vm0 =	veq.s32 v16, v1;
	v11 =	vld [tilespmem:s23+$0x10];
	v14 =	vadd.f32 v14, v13;
	v15 =	vadd.f32 v12, v15  }
.Ltmp3:
0x51: {  	v12 =	vld [tilespmem:s24+$0x10];
	v3 =	vsel vm0, v17, v3;
	(pc) =	sbr.rel @p1 .LBB2_9-.Ltmp3, $4  }
0x52: {  	v13 =	vld [tilespmem:s23+$0x20];
	v16 =	vadd.f32 v15, v14  }
0x53: {  	v14 =	vld [tilespmem:s24+$0x20]  }
0x54: {  	v15 =	vld [tilespmem:s23+$0xFFFFFFC0];
	(xrf2) =	vadd.scan.msk.f32 $0xffff, v16  }
0x55: {  	s28 =	sadd.s32 $0x1, s28;
	v16 =	vld [tilespmem:s24+$0xFFFFFFC0]  }
0x56: {  	v17 =	vld [tilespmem:s23+$0x30]  }
0x57: {  	v18 =	vld [tilespmem:s24+$0x30]  }
0x58: {  	v2 =	vmul.f32 v4, v2  }
0x59: {  	v51 =	vmul.f32 v6, v5;
	v52 =	vmul.f32 v8, v7  }
0x5a: {  	v54 =	vmul.f32 v10, v9;
	v53 =	vmul.f32 v16, v15  }
0x5b: {  	v55 =	vmul.f32 v12, v11;
	v56 =	vmul.f32 v14, v13  }
0x5c: {  	v57 =	vmul.f32 v18, v17;
	v6 =	vmul.f32 v0, v53  }
0x5d: {  	v4 =	vadd.f32 v52, v51;
	v58 =	vadd.f32 v55, v54  }
0x5e: {  	v59 =	vadd.f32 v57, v56;
	v2 =	vadd.f32 v2, v6;
	_ =	sdelay $0x1  }
0x5f: {  	v60 =	vadd.f32 v59, v58;
	v2 =	vadd.f32 v4, v2;
	_ =	sdelay $0x1  }
0x60: {  	v2 =	vadd.f32 v60, v2;
	_ =	sdelay $0x1  }
0x61: {  	(xrf2) =	vadd.scan.msk.f32 $0xffff, v2;
	_ =	sdelay $0x7  }
0x62: {  	s31 =	sshll.u32 s20, $0x4;
	s20 =	sadd.s32 $0x1, s20  }
0x63: {  	p1 =	sne.s32 s20, $0x8;
	v2, _, _ =	vpop (xrf2)  }
.Ltmp4:
0x64: {  	v61 =	vmov s26;
	v2 =	vbroadcast v2, $0xF;
	v62, _, _ =	vpop (xrf2);
	(pc) =	sbr.rel @p1 .LBB2_8-.Ltmp4, $4  }
0x65: {  	v63 =	vmov s25;
	vm0 =	veq.s32 v61, v1;
	v5 =	vbroadcast v62, $0xF  }
0x66: {  	vm15 =	veq.s32 v63, v1;
	v2 =	vsel vm0, v2, v3  }
0x67: {  	s23 =	sand.u32 $0x3FFFFFF0, s31;
	v2 =	vsel vm15, v5, v2  }
0x68: {  	s21 =	sadd.s32 $0x800, s21;
	s22 =	sadd.s32 $0x800, s22;
	[tilespmem:s23+$0x8100] =	vst v2  }
0x69: {  	s18 =	sadd.s32 s6, s18;
	s19 =	sadd.s32 $0x1, s19  }
0x6a: {  	[hbm4b:s18+s4] =	stream.linear.scatter [tilespmem:s16], [sflag:$0x3], $0x80, $0x38;
	[tilespmem:$0x8180] =	vst v63  }
0x6b: {  	p1 =	sne.s32 s19, $0x30  }
.Ltmp5:
0x6c: {  	_ = 	snop;
	(pc) =	sbr.rel @p1 .LBB2_7-.Ltmp5, $4  }
.Ltmp6:
0x6d: {  	_ = 	snop;
	(pc) =	sbr.rel @!p1 .LBB2_12-.Ltmp6, $4  }
0x6e: {  	_ =	swait.ge [sflag:s10], $0x80  }
0x6f: {  	[sflag:s10] =	ssyncset.done $0x0  }
0x70: {  	[sflag:s10] =	ssyncadd.s32 $0xFFFFFF80  }
0x71: {  	_ = 	snop  }
.LBB2_2:
0x72: {  	s19 =	sadd.s32 s7, s18  }
0x73: {  	s19 =	sshll.u32 s19, $0x4  }
0x74: {  	s20 =	simm.s32 $0x0;
	s21 =	sadd.s32 s5, s19  }
0x75: {  	[tilespmem:s20], [sflag:$0x3] =	stream.linear.gather [hbm4b:s21+s20], $0x80, $0x38;
	[tilespmem:$0x8180] =	vst v63  }
0x76: {  	_ =	swait.ge [sflag:s10], $0x80  }
0x77: {  	[sflag:s10] =	ssyncset.done $0x0  }
0x78: {  	s31 =	sadd.s32 s2, s19;
	[sflag:s10] =	ssyncadd.s32 $0xFFFFFF80  }
0x79: {  	[tilespmem:s11], [sflag:$0x3] =	stream.linear.gather [hbm4b:s31+s20], $0x80, $0x38;
	[tilespmem:$0x8180] =	vst v63  }
0x7a: {  	_ =	swait.ge [sflag:s10], $0x80  }
0x7b: {  	[sflag:s10] =	ssyncset.done $0x0  }
0x7c: {  	[sflag:s10] =	ssyncadd.s32 $0xFFFFFF80  }
0x7d: {  	[tilespmem:s12], [sflag:$0x1] =	stream.indirect.gather [hbm4b:s1+s11], $0x80, s20, s11, $0xb8;
	[tilespmem:$0x8180] =	vst v63  }
0x7e: {  	_ = 	snop  }
0x7f: {  	[tilespmem:s13], [sflag:$0x2] =	stream.indirect.gather [hbm4b:s1+s11], $0x80, s11, s11, $0xb8;
	[tilespmem:$0x8180] =	vst v63  }
0x80: {  	_ =	swait.ge [sflag:s14], $0x4000  }
0x81: {  	[sflag:s14] =	ssyncset.done $0x0  }
0x82: {  	[sflag:s14] =	ssyncadd.s32 $0xFFFFC000  }
0x83: {  	_ =	swait.ge [sflag:s15], $0x4000  }
0x84: {  	[sflag:s15] =	ssyncset.done $0x0  }
0x85: {  	s22 =	simm.s32 $0x4140;
	s21 =	simm.s32 $0x140;
	[sflag:s15] =	ssyncadd.s32 $0xFFFFC000  }
.LBB2_3:
0x86: {  	v3 =	vld [tilespmem:s21+$0xFFFFFFD0]  }
0x87: {  	v4 =	vld [tilespmem:s22+$0xFFFFFFD0]  }
0x88: {  	v5 =	vld [tilespmem:s21+$0xFFFFFFE0]  }
0x89: {  	v6 =	vld [tilespmem:s22+$0xFFFFFFE0]  }
0x8a: {  	v7 =	vld [tilespmem:s21+$0xFFFFFFF0]  }
0x8b: {  	v8 =	vld [tilespmem:s22+$0xFFFFFFF0]  }
0x8c: {  	v9 =	vld [tilespmem:s21+$0x0]  }
0x8d: {  	v10 =	vld [tilespmem:s22+$0x0]  }
0x8e: {  	v11 =	vld [tilespmem:s21+$0x10]  }
0x8f: {  	v12 =	vld [tilespmem:s22+$0x10]  }
0x90: {  	v13 =	vld [tilespmem:s21+$0x20]  }
0x91: {  	v14 =	vld [tilespmem:s22+$0x20]  }
0x92: {  	v15 =	vld [tilespmem:s21+$0xFFFFFFC0]  }
0x93: {  	v16 =	vld [tilespmem:s22+$0xFFFFFFC0]  }
0x94: {  	v17 =	vld [tilespmem:s21+$0x30]  }
0x95: {  	v18 =	vld [tilespmem:s22+$0x30];
	s23 =	sadd.s32 $0x80, s21  }
0x96: {  	s24 =	sadd.s32 $0x80, s22;
	v2 =	vld [tilespmem:s23+$0xFFFFFFD0];
	v3 =	vmul.f32 v4, v3  }
0x97: {  	v4 =	vld [tilespmem:s24+$0xFFFFFFD0];
	v19 =	vmul.f32 v6, v5;
	v20 =	vmul.f32 v8, v7  }
0x98: {  	v5 =	vld [tilespmem:s23+$0xFFFFFFE0];
	v8 =	vmul.f32 v16, v15;
	v9 =	vmul.f32 v10, v9  }
0x99: {  	v6 =	vld [tilespmem:s24+$0xFFFFFFE0];
	v10 =	vmul.f32 v12, v11;
	v11 =	vmul.f32 v14, v13  }
0x9a: {  	v7 =	vld [tilespmem:s23+$0xFFFFFFF0];
	v12 =	vmul.f32 v18, v17;
	v13 =	vmul.f32 v0, v8  }
0x9b: {  	v8 =	vld [tilespmem:s24+$0xFFFFFFF0];
	v14 =	vadd.f32 v20, v19;
	v15 =	vadd.f32 v10, v9  }
0x9c: {  	v9 =	vld [tilespmem:s23+$0x0];
	v12 =	vadd.f32 v12, v11;
	v3 =	vadd.f32 v3, v13  }
0x9d: {  	v10 =	vld [tilespmem:s24+$0x0]  }
0x9e: {  	v11 =	vld [tilespmem:s23+$0x10];
	v3 =	vadd.f32 v14, v3;
	v14 =	vadd.f32 v12, v15  }
0x9f: {  	v13 =	vld [tilespmem:s23+$0x20]  }
0xa0: {  	v12 =	vld [tilespmem:s24+$0x10];
	v16 =	vadd.f32 v14, v3  }
0xa1: {  	v15 =	vld [tilespmem:s23+$0xFFFFFFC0]  }
0xa2: {  	v14 =	vld [tilespmem:s24+$0x20];
	(xrf2) =	vadd.scan.msk.f32 $0xffff, v16  }
0xa3: {  	s25 =	simm.s32 $0x1;
	s28 =	simm.s32 $0x2;
	s26 =	simm.s32 $0x0;
	v3 =	vimm.f32 $0.0e+00;
	v16 =	vld [tilespmem:s24+$0xFFFFFFC0]  }
.LBB2_4:
0xa4: {  	p1 =	sne.s32 s28, $0xF;
	v17 =	vld [tilespmem:s23+$0x30]  }
0xa5: {  	s23 =	sadd.s32 $0x80, s23;
	v18 =	vld [tilespmem:s24+$0x30]  }
0xa6: {  	v19 =	vmul.f32 v4, v2;
	s24 =	sadd.s32 $0x80, s24;
	v2 =	vld [tilespmem:s23+$0xFFFFFFD0]  }
0xa7: {  	v20 =	vmul.f32 v6, v5;
	v21 =	vmul.f32 v8, v7;
	v4 =	vld [tilespmem:s24+$0xFFFFFFD0]  }
0xa8: {  	v9 =	vmul.f32 v10, v9;
	v5 =	vld [tilespmem:s23+$0xFFFFFFE0];
	v8 =	vmul.f32 v16, v15  }
0xa9: {  	v10 =	vmul.f32 v12, v11;
	v16 =	vmul.f32 v14, v13;
	v6 =	vld [tilespmem:s24+$0xFFFFFFE0]  }
0xaa: {  	v7 =	vld [tilespmem:s23+$0xFFFFFFF0];
	v12 =	vmul.f32 v18, v17;
	v13 =	vmul.f32 v0, v8  }
0xab: {  	v14 =	vadd.f32 v21, v20;
	v15 =	vadd.f32 v10, v9;
	v8 =	vld [tilespmem:s24+$0xFFFFFFF0]  }
0xac: {  	v9 =	vld [tilespmem:s23+$0x0];
	v13 =	vadd.f32 v19, v13;
	v12 =	vadd.f32 v12, v16;
	v11, _, _ =	vpop (xrf2)  }
0xad: {  	v16 =	vmov s26;
	s26 =	smov.u32 s25;
	s25 =	smov.u32 s28;
	v10 =	vld [tilespmem:s24+$0x0];
	v17 =	vbroadcast v11, $0xF  }
0xae: {  	vm0 =	veq.s32 v16, v1;
	v11 =	vld [tilespmem:s23+$0x10];
	v14 =	vadd.f32 v14, v13;
	v15 =	vadd.f32 v12, v15  }
.Ltmp7:
0xaf: {  	v12 =	vld [tilespmem:s24+$0x10];
	v3 =	vsel vm0, v17, v3;
	(pc) =	sbr.rel @p1 .LBB2_4-.Ltmp7, $4  }
0xb0: {  	v13 =	vld [tilespmem:s23+$0x20];
	v16 =	vadd.f32 v15, v14  }
0xb1: {  	v14 =	vld [tilespmem:s24+$0x20]  }
0xb2: {  	v15 =	vld [tilespmem:s23+$0xFFFFFFC0];
	(xrf2) =	vadd.scan.msk.f32 $0xffff, v16  }
0xb3: {  	s28 =	sadd.s32 $0x1, s28;
	v16 =	vld [tilespmem:s24+$0xFFFFFFC0]  }
0xb4: {  	v17 =	vld [tilespmem:s23+$0x30]  }
0xb5: {  	v18 =	vld [tilespmem:s24+$0x30]  }
0xb6: {  	v2 =	vmul.f32 v4, v2  }
0xb7: {  	v51 =	vmul.f32 v6, v5;
	v52 =	vmul.f32 v8, v7  }
0xb8: {  	v54 =	vmul.f32 v10, v9;
	v53 =	vmul.f32 v16, v15  }
0xb9: {  	v55 =	vmul.f32 v12, v11;
	v56 =	vmul.f32 v14, v13  }
0xba: {  	v57 =	vmul.f32 v18, v17;
	v6 =	vmul.f32 v0, v53  }
0xbb: {  	v4 =	vadd.f32 v52, v51;
	v58 =	vadd.f32 v55, v54  }
0xbc: {  	v59 =	vadd.f32 v57, v56;
	v2 =	vadd.f32 v2, v6;
	_ =	sdelay $0x1  }
0xbd: {  	v60 =	vadd.f32 v59, v58;
	v2 =	vadd.f32 v4, v2;
	_ =	sdelay $0x1  }
0xbe: {  	v2 =	vadd.f32 v60, v2;
	_ =	sdelay $0x1  }
0xbf: {  	(xrf2) =	vadd.scan.msk.f32 $0xffff, v2;
	_ =	sdelay $0x7  }
0xc0: {  	s31 =	sshll.u32 s20, $0x4;
	s20 =	sadd.s32 $0x1, s20  }
0xc1: {  	p1 =	sne.s32 s20, $0x8;
	v2, _, _ =	vpop (xrf2)  }
.Ltmp8:
0xc2: {  	v61 =	vmov s26;
	v2 =	vbroadcast v2, $0xF;
	v62, _, _ =	vpop (xrf2);
	(pc) =	sbr.rel @p1 .LBB2_3-.Ltmp8, $4  }
0xc3: {  	v63 =	vmov s25;
	vm0 =	veq.s32 v61, v1;
	v5 =	vbroadcast v62, $0xF  }
0xc4: {  	vm15 =	veq.s32 v63, v1;
	v2 =	vsel vm0, v2, v3  }
0xc5: {  	s23 =	sand.u32 $0x3FFFFFF0, s31;
	v2 =	vsel vm15, v5, v2  }
0xc6: {  	s21 =	sadd.s32 $0x800, s21;
	s22 =	sadd.s32 $0x800, s22;
	[tilespmem:s23+$0x8100] =	vst v2  }
0xc7: {  	s19 =	sadd.s32 s6, s19;
	s18 =	sadd.s32 $0x1, s18  }
0xc8: {  	[hbm4b:s19+s4] =	stream.linear.scatter [tilespmem:s16], [sflag:$0x3], $0x80, $0x38;
	[tilespmem:$0x8180] =	vst v63  }
0xc9: {  	p1 =	seq.s32 s18, $0xC8  }
.Ltmp9:
0xca: {  	_ = 	snop;
	(pc) =	sbr.rel @!p1 .LBB2_2-.Ltmp9, $4  }
.Ltmp10:
0xcb: {  	_ = 	snop;
	(pc) =	sbr.rel @p1 .LBB2_12-.Ltmp10, $4  }
0xcc: {  	_ =	swait.ge [sflag:s10], $0x80  }
0xcd: {  	[sflag:s10] =	ssyncset.done $0x0  }
0xce: {  	[sflag:s10] =	ssyncadd.s32 $0xFFFFFF80  }
0xcf: {  	_ = 	snop  }
.LBB2_13:
0xd0: {  	_ =	sfence.sel $0x180000  }
0xd1: {  	[bflag:$0x0] =	sbarrier.arrive $0xFFFF  }
0xd2: {  	p0 =	sne.s32 s3, $0x0;
	_ =	strace $0x90000047  }
0xd3: {  	s0 =	sadd.s32 @!p0 $0x100000, s0;
	[bflag:$0x2] =	sbarrier.arrive $0xFFFF  }
0xd4: {  	[sflag:s0] =	ssyncadd.tile.s32 @!p0 $0x1;
	_ =	shalt  }
.Lfunc_end2:
_tile_overlayer_lowered:
.L_overlay_start_2:
0xd5: {  	(tag) =	ssettag $0x2  }
0xd6: {  	s0 =	rddreg [dreg:$0x0];
	s2 =	stileid.u32  }
0xd7: {  	s1 =	rddreg [dreg:$0x1];
	p0 =	sne.s32 s2, $0x0  }
0xd8: {  	s3 =	rddreg [dreg:$0x2];
	[bflag:$0x3] =	sbarrier.arrive $0xFFFF;
	s2 =	simm.s32 @!p0 $0x1C03  }
0xd9: {  	[timem:s3], [sflag:s2] =	dma.local @!p0 [hbm:s0], s1  }
0xda: {  	s0 =	simm.s32 @!p0 $0x3  }
0xdb: {  	_ =	swait.ge @!p0 [sflag:s0], s1  }
0xdc: {  	s1 =	ssub.s32 @!p0 $0x0, s1;
	[sflag:s0] =	ssyncset.done @!p0 $0x0  }
0xdd: {  	[sflag:s0] =	ssyncadd.s32 @!p0 s1  }
0xde: {  	[bflag:$0x3] =	sbarrier.arrive $0xFFFF  }
0xdf: {  	_ =	shalt  }

</sc_bundles>
